<compile_context>
chip_gen: v7x
topology: tpu7x:2x2x1
jax: 0.10.2.dev20260603
libtpu: 0.0.44.dev20260713+nightly
codegen_flags: <defaults>
</compile_context>

<pallas_src>
import functools

import jax
import jax.numpy as jnp
from jax import lax
from jax.experimental import pallas as pl
from jax.experimental.pallas import tpu as pltpu
from jax.experimental.pallas import tpu_sc as plsc


def kernel(X):
    B, C, H, W = X.shape
    N = B * C
    HW = H * W
    Xr = X.reshape(N, HW)
    info = plsc.get_sparse_core_info()
    NC, NS, L = info.num_cores, info.num_subcores, info.num_lanes
    NW = NC * NS
    per_w = N // NW
    chunks = HW // L
    mesh = plsc.VectorSubcoreMesh(core_axis_name="c", subcore_axis_name="s")

    @functools.partial(
        pl.kernel,
        mesh=mesh,
        out_type=jax.ShapeDtypeStruct((N, HW), jnp.float32),
        scratch_types=[pltpu.VMEM((HW,), jnp.float32)],
    )
    def k(x_hbm, o_hbm, buf):
        wid = lax.axis_index("s") * NC + lax.axis_index("c")
        base = wid * per_w

        def per_map(m, carry):
            row = base + m
            pltpu.sync_copy(x_hbm.at[row], buf)

            def mx(i, acc):
                return jnp.maximum(acc, buf[pl.ds(i * L, L)])

            acc = lax.fori_loop(0, chunks, mx,
                                jnp.full((L,), -jnp.inf, jnp.float32))
            shift = 1
            while shift < L:
                idx = jnp.bitwise_xor(lax.iota(jnp.int32, L), shift)
                acc = jnp.maximum(
                    acc,
                    acc.at[idx].get(mode="promise_in_bounds",
                                    unique_indices=True))
                shift *= 2
            mvec = acc

            def sel(i, c):
                v = buf[pl.ds(i * L, L)]
                buf[pl.ds(i * L, L)] = jnp.where(v == mvec, v,
                                                 jnp.zeros_like(v))
                return c

            lax.fori_loop(0, chunks, sel, 0)
            pltpu.sync_copy(buf, o_hbm.at[row])
            return carry

        lax.fori_loop(0, per_w, per_map, 0)

    out = k(Xr)
    return out.reshape(B, C, H, W)

# --- scband reference (transcript-rebuilt; emitter-appended) ---
"""Pipeline reference for scband-winner-take-all2-d-40200893891223 (READ-ONLY COPY).

The authoritative reference and input builder live on the scoring server;
editing this copy changes nothing except your own understanding.
"""

import jax, jax.numpy as jnp
import numpy as np


def setup_inputs(seed: int = 0) -> dict:
    key = jax.random.key(seed)
    X = jax.random.normal(key, (8, 96, 224, 224), dtype=jnp.float32)
    return {"X": X}


def reference(X):
    # WinnerTakeAll2D with previous_mode=True, train=True:
    # keep only the spatial maximum per (batch, channel) map, zero elsewhere.
    M = jnp.max(X, axis=(2, 3), keepdims=True)
    R = jnp.where(jnp.equal(X, M), X, jnp.zeros_like(X))
    return R

if __name__ == "__main__":
    import jax
    _d = setup_inputs()
    print(jax.jit(kernel)(*tuple(_d.values())))

</pallas_src>

<mosaic_0001>
#map = affine_map<(d0, d1) -> (0, 0)>
module attributes {stable_mosaic.version = 14 : i64} {
  func.func @k(%arg0: i32, %arg1: i32, %arg2: memref<768x50176xf32, #tpu.memory_space<hbm>>, %arg3: memref<768x50176xf32, #tpu.memory_space<hbm>>, %arg4: memref<50176xf32, #tpu.memory_space<vmem>>) attributes {dimension_semantics = [#tpu.dimension_semantics<core_parallel>, #tpu.dimension_semantics<subcore_parallel>], iteration_bounds = array<i64: 2, 16>, scalar_prefetch = 0 : i64, scratch_operands = 1 : i64, tpu.core_type = #tpu.core_type<sc_vector_subcore>, window_params = [{transform_indices = #map}, {transform_indices = #map}]} {
    %mul3A = arith.constant 2 : i32
    %mul3A_0 = arith.muli %arg1, %mul3A : i32
    %add3A = arith.addi %mul3A_0, %arg0 : i32
    %mul3A_1 = arith.constant 24 : i32
    %mul3A_2 = arith.muli %add3A, %mul3A_1 : i32
    %scan3A = arith.constant 0 : i32
    %scan3A_3 = arith.constant 0 : i32
    %scan3A_4 = arith.constant 24 : i32
    %scan3A_5 = arith.addi %scan3A_3, %scan3A_4 : i32
    %scan3A_6 = arith.constant 1 : i32
    scf.for %scan3A_8 = %scan3A_3 to %scan3A_5 step %scan3A_6  : i32 {
      %add3A_9 = arith.addi %mul3A_2, %scan3A_8 : i32
      "tpu.region"() ({
        %run_scoped3A = tpu.sem_alloc : memref<!tpu.dma_semaphore, #tpu.memory_space<semaphore_mem>>
        %dma_start3A = arith.constant 0 : i32
        %dma_start3A_77 = tpu.memref_slice %arg2[%add3A_9, %dma_start3A] : memref<768x50176xf32, #tpu.memory_space<hbm>> -> memref<1x50176xf32, #tpu.memory_space<hbm>>
        %dma_start3A_78 = tpu.memref_squeeze %dma_start3A_77 : memref<1x50176xf32, #tpu.memory_space<hbm>> -> memref<50176xf32, #tpu.memory_space<hbm>>
        %dma_start3A_79 = arith.constant 0 : i32
        %dma_start3A_80 = tpu.memref_slice %arg2[%add3A_9, %dma_start3A_79] : memref<768x50176xf32, #tpu.memory_space<hbm>> -> memref<1x50176xf32, #tpu.memory_space<hbm>>
        %dma_start3A_81 = tpu.memref_squeeze %dma_start3A_80 : memref<1x50176xf32, #tpu.memory_space<hbm>> -> memref<50176xf32, #tpu.memory_space<hbm>>
        tpu.enqueue_dma source(%dma_start3A_81 : memref<50176xf32, #tpu.memory_space<hbm>>) target(%arg4 : memref<50176xf32, #tpu.memory_space<vmem>>) target_semaphore(%run_scoped3A : memref<!tpu.dma_semaphore, #tpu.memory_space<semaphore_mem>>)
        %dma_wait3A = arith.constant 0 : i32
        %dma_wait3A_82 = tpu.memref_slice %arg2[%add3A_9, %dma_wait3A] : memref<768x50176xf32, #tpu.memory_space<hbm>> -> memref<1x50176xf32, #tpu.memory_space<hbm>>
        %dma_wait3A_83 = tpu.memref_squeeze %dma_wait3A_82 : memref<1x50176xf32, #tpu.memory_space<hbm>> -> memref<50176xf32, #tpu.memory_space<hbm>>
        %dma_wait3A_84 = arith.constant 0 : i32
        %dma_wait3A_85 = tpu.memref_slice %arg2[%add3A_9, %dma_wait3A_84] : memref<768x50176xf32, #tpu.memory_space<hbm>> -> memref<1x50176xf32, #tpu.memory_space<hbm>>
        %dma_wait3A_86 = tpu.memref_squeeze %dma_wait3A_85 : memref<1x50176xf32, #tpu.memory_space<hbm>> -> memref<50176xf32, #tpu.memory_space<hbm>>
        tpu.wait_dma2 semaphore(%run_scoped3A : memref<!tpu.dma_semaphore, #tpu.memory_space<semaphore_mem>>) src(%dma_wait3A_86 : memref<50176xf32, #tpu.memory_space<hbm>>) dst(%arg4 : memref<50176xf32, #tpu.memory_space<vmem>>)
        tpu.yield
      }) : () -> ()
      %broadcast_in_dim3A = arith.constant 0xFF800000 : f32
      %broadcast_in_dim3A_10 = vector.broadcast %broadcast_in_dim3A : f32 to vector<16xf32>
      %scan3A_11 = arith.constant 0 : i32
      %scan3A_12 = arith.constant 3136 : i32
      %scan3A_13 = arith.addi %scan3A_11, %scan3A_12 : i32
      %scan3A_14 = arith.constant 1 : i32
      %scan3A_15 = scf.for %scan3A_77 = %scan3A_11 to %scan3A_13 step %scan3A_14 iter_args(%scan3A_78 = %broadcast_in_dim3A_10) -> (vector<16xf32>)  : i32 {
        %mul3A_79 = arith.constant 16 : i32
        %mul3A_80 = arith.muli %scan3A_77, %mul3A_79 : i32
        %get3A = arith.index_cast %mul3A_80 : i32 to index
        %get3A_81 = tpu.vector_load %arg4[%get3A] {strides = array<i32>} : memref<50176xf32, #tpu.memory_space<vmem>>, vector<16xf32>,
        %get3A_82 = vector.shape_cast %get3A_81 : vector<16xf32> to vector<16xf32>
        %max3A_83 = arith.maximumf %scan3A_78, %get3A_82 : vector<16xf32>
        scf.yield %max3A_83 : vector<16xf32>
      }
      %scan3A_16 = arith.constant 3136 : i32
      %iota3A = tpu.iota {dimensions = array<i32: 0>} : vector<16xi32>
      %xor3A = arith.constant 1 : i32
      %xor3A_17 = vector.broadcast %xor3A : i32 to vector<16xi32>
      %xor3A_18 = arith.xori %iota3A, %xor3A_17 : vector<16xi32>
      %lt3A = arith.constant 0 : i32
      %lt3A_19 = vector.broadcast %lt3A : i32 to vector<16xi32>
      %lt3A_20 = arith.cmpi slt, %xor3A_18, %lt3A_19 : vector<16xi32>
      %add3A_21 = arith.constant 16 : i32
      %add3A_22 = vector.broadcast %add3A_21 : i32 to vector<16xi32>
      %add3A_23 = arith.addi %xor3A_18, %add3A_22 : vector<16xi32>
      %select_n3A = arith.select %lt3A_20, %add3A_23, %xor3A_18 : vector<16xi1>, vector<16xi32>
      %broadcast_in_dim3A_24 = vector.shape_cast %select_n3A : vector<16xi32> to vector<16x1xi32>
      %gather3A = vector.shape_cast %broadcast_in_dim3A_24 : vector<16x1xi32> to vector<16xi32>
      %gather3A_25 = tpu.dynamic_gather %scan3A_15[%gather3A] in [0] : vector<16xf32>, vector<16xi32> -> vector<16xf32>
      %max3A = arith.maximumf %scan3A_15, %gather3A_25 : vector<16xf32>
      %iota3A_26 = tpu.iota {dimensions = array<i32: 0>} : vector<16xi32>
      %xor3A_27 = arith.constant 2 : i32
      %xor3A_28 = vector.broadcast %xor3A_27 : i32 to vector<16xi32>
      %xor3A_29 = arith.xori %iota3A_26, %xor3A_28 : vector<16xi32>
      %lt3A_30 = arith.constant 0 : i32
      %lt3A_31 = vector.broadcast %lt3A_30 : i32 to vector<16xi32>
      %lt3A_32 = arith.cmpi slt, %xor3A_29, %lt3A_31 : vector<16xi32>
      %add3A_33 = arith.constant 16 : i32
      %add3A_34 = vector.broadcast %add3A_33 : i32 to vector<16xi32>
      %add3A_35 = arith.addi %xor3A_29, %add3A_34 : vector<16xi32>
      %select_n3A_36 = arith.select %lt3A_32, %add3A_35, %xor3A_29 : vector<16xi1>, vector<16xi32>
      %broadcast_in_dim3A_37 = vector.shape_cast %select_n3A_36 : vector<16xi32> to vector<16x1xi32>
      %gather3A_38 = vector.shape_cast %broadcast_in_dim3A_37 : vector<16x1xi32> to vector<16xi32>
      %gather3A_39 = tpu.dynamic_gather %max3A[%gather3A_38] in [0] : vector<16xf32>, vector<16xi32> -> vector<16xf32>
      %max3A_40 = arith.maximumf %max3A, %gather3A_39 : vector<16xf32>
      %iota3A_41 = tpu.iota {dimensions = array<i32: 0>} : vector<16xi32>
      %xor3A_42 = arith.constant 4 : i32
      %xor3A_43 = vector.broadcast %xor3A_42 : i32 to vector<16xi32>
      %xor3A_44 = arith.xori %iota3A_41, %xor3A_43 : vector<16xi32>
      %lt3A_45 = arith.constant 0 : i32
      %lt3A_46 = vector.broadcast %lt3A_45 : i32 to vector<16xi32>
      %lt3A_47 = arith.cmpi slt, %xor3A_44, %lt3A_46 : vector<16xi32>
      %add3A_48 = arith.constant 16 : i32
      %add3A_49 = vector.broadcast %add3A_48 : i32 to vector<16xi32>
      %add3A_50 = arith.addi %xor3A_44, %add3A_49 : vector<16xi32>
      %select_n3A_51 = arith.select %lt3A_47, %add3A_50, %xor3A_44 : vector<16xi1>, vector<16xi32>
      %broadcast_in_dim3A_52 = vector.shape_cast %select_n3A_51 : vector<16xi32> to vector<16x1xi32>
      %gather3A_53 = vector.shape_cast %broadcast_in_dim3A_52 : vector<16x1xi32> to vector<16xi32>
      %gather3A_54 = tpu.dynamic_gather %max3A_40[%gather3A_53] in [0] : vector<16xf32>, vector<16xi32> -> vector<16xf32>
      %max3A_55 = arith.maximumf %max3A_40, %gather3A_54 : vector<16xf32>
      %iota3A_56 = tpu.iota {dimensions = array<i32: 0>} : vector<16xi32>
      %xor3A_57 = arith.constant 8 : i32
      %xor3A_58 = vector.broadcast %xor3A_57 : i32 to vector<16xi32>
      %xor3A_59 = arith.xori %iota3A_56, %xor3A_58 : vector<16xi32>
      %lt3A_60 = arith.constant 0 : i32
      %lt3A_61 = vector.broadcast %lt3A_60 : i32 to vector<16xi32>
      %lt3A_62 = arith.cmpi slt, %xor3A_59, %lt3A_61 : vector<16xi32>
      %add3A_63 = arith.constant 16 : i32
      %add3A_64 = vector.broadcast %add3A_63 : i32 to vector<16xi32>
      %add3A_65 = arith.addi %xor3A_59, %add3A_64 : vector<16xi32>
      %select_n3A_66 = arith.select %lt3A_62, %add3A_65, %xor3A_59 : vector<16xi1>, vector<16xi32>
      %broadcast_in_dim3A_67 = vector.shape_cast %select_n3A_66 : vector<16xi32> to vector<16x1xi32>
      %gather3A_68 = vector.shape_cast %broadcast_in_dim3A_67 : vector<16x1xi32> to vector<16xi32>
      %gather3A_69 = tpu.dynamic_gather %max3A_55[%gather3A_68] in [0] : vector<16xf32>, vector<16xi32> -> vector<16xf32>
      %max3A_70 = arith.maximumf %max3A_55, %gather3A_69 : vector<16xf32>
      %scan3A_71 = arith.constant 0 : i32
      %scan3A_72 = arith.constant 0 : i32
      %scan3A_73 = arith.constant 3136 : i32
      %scan3A_74 = arith.addi %scan3A_72, %scan3A_73 : i32
      %scan3A_75 = arith.constant 1 : i32
      scf.for %scan3A_77 = %scan3A_72 to %scan3A_74 step %scan3A_75  : i32 {
        %mul3A_78 = arith.constant 16 : i32
        %mul3A_79 = arith.muli %scan3A_77, %mul3A_78 : i32
        %get3A = arith.index_cast %mul3A_79 : i32 to index
        %get3A_80 = tpu.vector_load %arg4[%get3A] {strides = array<i32>} : memref<50176xf32, #tpu.memory_space<vmem>>, vector<16xf32>,
        %get3A_81 = vector.shape_cast %get3A_80 : vector<16xf32> to vector<16xf32>
        %eq3A = arith.cmpf oeq, %get3A_81, %max3A_70 : vector<16xf32>
        %broadcast_in_dim3A_82 = arith.constant 0.000000e+00 : f32
        %broadcast_in_dim3A_83 = vector.broadcast %broadcast_in_dim3A_82 : f32 to vector<16xf32>
        %select_n3A_84 = arith.select %eq3A, %get3A_81, %broadcast_in_dim3A_83 : vector<16xi1>, vector<16xf32>
        %mul3A_85 = arith.constant 16 : i32
        %mul3A_86 = arith.muli %scan3A_77, %mul3A_85 : i32
        %swap3A = arith.index_cast %mul3A_86 : i32 to index
        %swap3A_87 = tpu.vector_load %arg4[%swap3A] {strides = array<i32>} : memref<50176xf32, #tpu.memory_space<vmem>>, vector<16xf32>,
        %swap3A_88 = vector.shape_cast %swap3A_87 : vector<16xf32> to vector<16xf32>
        %swap3A_89 = vector.shape_cast %select_n3A_84 : vector<16xf32> to vector<16xf32>
        tpu.vector_store %arg4[%swap3A], %swap3A_89 {strides = array<i32>} : memref<50176xf32, #tpu.memory_space<vmem>>, vector<16xf32>,
      }
      %scan3A_76 = arith.constant 3136 : i32
      "tpu.region"() ({
        %run_scoped3A = tpu.sem_alloc : memref<!tpu.dma_semaphore, #tpu.memory_space<semaphore_mem>>
        %dma_start3A = arith.constant 0 : i32
        %dma_start3A_77 = tpu.memref_slice %arg3[%add3A_9, %dma_start3A] : memref<768x50176xf32, #tpu.memory_space<hbm>> -> memref<1x50176xf32, #tpu.memory_space<hbm>>
        %dma_start3A_78 = tpu.memref_squeeze %dma_start3A_77 : memref<1x50176xf32, #tpu.memory_space<hbm>> -> memref<50176xf32, #tpu.memory_space<hbm>>
        %dma_start3A_79 = arith.constant 0 : i32
        %dma_start3A_80 = tpu.memref_slice %arg3[%add3A_9, %dma_start3A_79] : memref<768x50176xf32, #tpu.memory_space<hbm>> -> memref<1x50176xf32, #tpu.memory_space<hbm>>
        %dma_start3A_81 = tpu.memref_squeeze %dma_start3A_80 : memref<1x50176xf32, #tpu.memory_space<hbm>> -> memref<50176xf32, #tpu.memory_space<hbm>>
        tpu.enqueue_dma source(%arg4 : memref<50176xf32, #tpu.memory_space<vmem>>) target(%dma_start3A_81 : memref<50176xf32, #tpu.memory_space<hbm>>) target_semaphore(%run_scoped3A : memref<!tpu.dma_semaphore, #tpu.memory_space<semaphore_mem>>)
        %dma_wait3A = arith.constant 0 : i32
        %dma_wait3A_82 = tpu.memref_slice %arg3[%add3A_9, %dma_wait3A] : memref<768x50176xf32, #tpu.memory_space<hbm>> -> memref<1x50176xf32, #tpu.memory_space<hbm>>
        %dma_wait3A_83 = tpu.memref_squeeze %dma_wait3A_82 : memref<1x50176xf32, #tpu.memory_space<hbm>> -> memref<50176xf32, #tpu.memory_space<hbm>>
        %dma_wait3A_84 = arith.constant 0 : i32
        %dma_wait3A_85 = tpu.memref_slice %arg3[%add3A_9, %dma_wait3A_84] : memref<768x50176xf32, #tpu.memory_space<hbm>> -> memref<1x50176xf32, #tpu.memory_space<hbm>>
        %dma_wait3A_86 = tpu.memref_squeeze %dma_wait3A_85 : memref<1x50176xf32, #tpu.memory_space<hbm>> -> memref<50176xf32, #tpu.memory_space<hbm>>
        tpu.wait_dma2 semaphore(%run_scoped3A : memref<!tpu.dma_semaphore, #tpu.memory_space<semaphore_mem>>) src(%arg4 : memref<50176xf32, #tpu.memory_space<vmem>>) dst(%dma_wait3A_86 : memref<50176xf32, #tpu.memory_space<hbm>>)
        tpu.yield
      }) : () -> ()
    }
    %scan3A_7 = arith.constant 24 : i32
    return
  }
}

</mosaic_0001>

<sc_bundles>
// kernel: kernel.3.cloned.1.call-start
scs
__scs_entry_jumppad:
0x0: {  	(pc) =	sbr.rel $0x88, $3  }
0x1: {  	(tag) =	ssettag $0x0;
	lr =	simm.s32 $0x1  }
0x2: {  	[smem:$0x3FA0] =	sst lr;
	_ =	strace $0xD0000000  }
0x3: {  	_ = 	snop  }
0x4: {  	_ = 	snop  }
0x5: {  	_ = 	snop  }
0x6: {  	_ = 	snop  }
0x7: {  	_ = 	snop  }
__scs_overlays_trampoline_lowered:
0x8: {  	[smem:$0x3FAF] =	sst s0  }
0x9: {  	[smem:$0x3FB0] =	sst s1  }
0xa: {  	[smem:$0x3FB1] =	sst s2  }
0xb: {  	[smem:$0x3FB2] =	sst s3  }
0xc: {  	[smem:$0x3FB3] =	sst s4  }
0xd: {  	[smem:$0x3FB4] =	sst s5  }
0xe: {  	[smem:$0x3FB5] =	sst s6  }
0xf: {  	[smem:$0x3FB6] =	sst s7  }
0x10: {  	[smem:$0x3FB7] =	sst s8  }
0x11: {  	[smem:$0x3FB8] =	sst s9;
	s0 =	simm.s32 @!p0 $0x0  }
0x12: {  	s1 =	sld [smem:$0x3F9E];
	s0 =	simm.s32 @p0 $0x1  }
0x13: {  	[smem:$0x3FB9] =	sst s0;
	s0 =	simm.s32 @!p1 $0x0  }
0x14: {  	s2 =	sld [smem:$0x3F9D];
	s0 =	simm.s32 @p1 $0x1  }
0x15: {  	[smem:$0x3FBA] =	sst s0;
	s0 =	simm.s32 @!p2 $0x0  }
0x16: {  	s3 =	sld [smem:$0x3FDB];
	s0 =	simm.s32 @p2 $0x1  }
0x17: {  	s4 =	simm.s32 $0x1BF5;
	[smem:$0x3FBC] =	sst s0  }
0x18: {  	s0 =	sld [smem:$0x3F9F];
	_ =	swait.ge [sflag:s4], $0x0  }
0x19: {  	s7 =	sld [smem:$0x3FA0]  }
0x1a: {  	s8 =	sadd.s32 $0xFFFFE003, lr  }
0x1b: {  	s9 =	sadd.s32 $0xFFFFFEF7, lr;
	s5 =	simm.s32 $0xFFFFFFFF;
	p2 =	slt.u32 s8, $0xFFFFF086  }
0x1c: {  	p1 =	slt.u32 s9, $0xF7A;
	s5 =	simm.s32 @!p2 $0x0  }
0x1d: {  	s5 =	simm.s32 @p1 $0x1;
	p0 =	seq.s32 s7, s2  }
0x1e: {  	s7 =	smul.u32 @!p0 $0xF7A, s2;
	p2 =	seq.s32 @!p0 s5, $0x0  }
0x1f: {  	s9 =	smul.u32 $0xF7A, s1;
	s8 =	simm.s32 @!p0 $0x1BF5;
	p2 =	por !p2, p0  }
0x20: {  	[sflag:s8] =	ssyncset.s32 @!p0 $0xFFFFF086;
	s6 =	sadd.s32 @!p0 s3, s7;
	s7 =	simm.s32 @!p0 $0x108  }
0x21: {  	s3 =	sadd.s32 s3, s9;
	s6 =	sadd.s32 @!p0 $0x88, s6;
	s7 =	simm.s32 @p2 $0x1082  }
0x22: {  	[simem:s7], [sflag:s8] =	dma.local @!p0 [hbm:s6], $0xF7A  }
0x23: {  	s9 =	sor.u32 $0xD0000000, s2;
	s6 =	simm.s32 $0x108;
	_ =	swait.ge @!p0 [sflag:s8], $0x0  }
0x24: {  	s3 =	sadd.s32 $0x88, s3;
	s6 =	simm.s32 @!p1 $0x1082;
	[sflag:s4] =	ssyncset.s32 $0xFFFFF086  }
0x25: {  	[simem:s6], [sflag:s4] =	dma.local [hbm:s3], $0xF7A  }
0x26: {  	[smem:$0x3FA0] =	sst s1;
	(tag) =	ssettag s2;
	_ =	strace s9  }
0x27: {  	s1 =	sld [smem:$0x3FB0]  }
0x28: {  	s2 =	sld [smem:$0x3FB1]  }
0x29: {  	s4 =	sld [smem:$0x3FB3]  }
0x2a: {  	p0 =	seq.s32 s5, $0x0;
	s5 =	sld [smem:$0x3FB4]  }
0x2b: {  	s6 =	sld [smem:$0x3FB5]  }
0x2c: {  	s7 =	sld [smem:$0x3FB6]  }
0x2d: {  	s3 =	simm.s32 $0x108;
	s8 =	sld [smem:$0x3FB7]  }
0x2e: {  	s3 =	simm.s32 @!p0 $0x1082;
	s9 =	sld [smem:$0x3FB8]  }
0x2f: {  	lr =	sadd.s32 s0, s3;
	s0 =	sld [smem:$0x3FAF]  }
0x30: {  	s3 =	sld [smem:$0x3FB2]  }
0x31: {  	[smem:$0x3FBB] =	sst s10  }
0x32: {  	s10 =	sld [smem:$0x3FB9];
	_ =	sdelay $0x3  }
0x33: {  	p0 =	seq.s32 s10, $0x1;
	s10 =	sld [smem:$0x3FBB];
	_ =	sdelay $0x3  }
0x34: {  	[smem:$0x3FBB] =	sst s10  }
0x35: {  	s10 =	sld [smem:$0x3FBA];
	_ =	sdelay $0x3  }
0x36: {  	p1 =	seq.s32 s10, $0x1;
	s10 =	sld [smem:$0x3FBB];
	_ =	sdelay $0x3  }
0x37: {  	[smem:$0x3FBB] =	sst s10  }
0x38: {  	s10 =	sld [smem:$0x3FBC]  }
0x39: {  	_ = 	snop;
	(pc) =	sbr.ind lr, $3  }
0x3a: {  	_ = 	snop  }
0x3b: {  	_ = 	snop  }
0x3c: {  	p2 =	seq.s32 s10, $0x1;
	s10 =	sld [smem:$0x3FBB]  }
0x3d: {  	_ =	shalt  }
0x3e: {  	_ =	shalt  }
0x3f: {  	_ =	shalt  }
0x40: {  	_ =	shalt  }
0x41: {  	_ =	shalt  }
0x42: {  	_ =	shalt  }
0x43: {  	_ =	shalt  }
0x44: {  	_ =	shalt  }
0x45: {  	_ =	shalt  }
0x46: {  	_ =	shalt  }
0x47: {  	_ =	shalt  }
0x48: {  	_ =	shalt  }
0x49: {  	_ =	shalt  }
0x4a: {  	_ =	shalt  }
0x4b: {  	_ =	shalt  }
0x4c: {  	_ =	shalt  }
0x4d: {  	_ =	shalt  }
0x4e: {  	_ =	shalt  }
0x4f: {  	_ =	shalt  }
0x50: {  	_ =	shalt  }
0x51: {  	_ =	shalt  }
0x52: {  	_ =	shalt  }
0x53: {  	_ =	shalt  }
0x54: {  	_ =	shalt  }
0x55: {  	_ =	shalt  }
0x56: {  	_ =	shalt  }
0x57: {  	_ =	shalt  }
0x58: {  	_ =	shalt  }
0x59: {  	_ =	shalt  }
0x5a: {  	_ =	shalt  }
0x5b: {  	_ =	shalt  }
0x5c: {  	_ =	shalt  }
0x5d: {  	_ =	shalt  }
0x5e: {  	_ =	shalt  }
0x5f: {  	_ =	shalt  }
0x60: {  	_ =	shalt  }
0x61: {  	_ =	shalt  }
0x62: {  	_ =	shalt  }
0x63: {  	_ =	shalt  }
0x64: {  	_ =	shalt  }
0x65: {  	_ =	shalt  }
0x66: {  	_ =	shalt  }
0x67: {  	_ =	shalt  }
0x68: {  	_ =	shalt  }
0x69: {  	_ =	shalt  }
0x6a: {  	_ =	shalt  }
0x6b: {  	_ =	shalt  }
0x6c: {  	_ =	shalt  }
0x6d: {  	_ =	shalt  }
0x6e: {  	_ =	shalt  }
0x6f: {  	_ =	shalt  }
0x70: {  	_ =	shalt  }
0x71: {  	_ =	shalt  }
0x72: {  	_ =	shalt  }
0x73: {  	_ =	shalt  }
0x74: {  	_ =	shalt  }
0x75: {  	_ =	shalt  }
0x76: {  	_ =	shalt  }
0x77: {  	_ =	shalt  }
0x78: {  	_ =	shalt  }
0x79: {  	_ =	shalt  }
0x7a: {  	_ =	shalt  }
0x7b: {  	_ =	shalt  }
0x7c: {  	_ =	shalt  }
0x7d: {  	_ =	shalt  }
0x7e: {  	_ =	shalt  }
0x7f: {  	_ =	shalt  }
0x80: {  	_ =	shalt  }
0x81: {  	_ =	shalt  }
0x82: {  	_ =	shalt  }
0x83: {  	_ =	shalt  }
0x84: {  	_ =	shalt  }
0x85: {  	_ =	shalt  }
0x86: {  	_ =	shalt  }
0x87: {  	_ =	shalt  }
.Lfunc_end0:
.L_simem_size_0:
called_computation_lowered:
.L_overlay_start_0:
0x88: {  	s2 =	sld [smem:$0x3FD9]  }
0x89: {  	s3 =	sld [smem:$0x3FFE];
	_ =	sdelay $0x1  }
0x8a: {  	s1 =	srdreg.scid  }
0x8b: {  	s0 =	sand.u32 $0x1, s1  }
0x8c: {  	s17 =	sshll.u32 s0, $0xA;
	s2 =	sadd.s32 s3, s2  }
0x8d: {  	s2 =	sadd.s32 s2, s17  }
0x8e: {  	[smem:$0x3FC7] =	sst s2  }
0x8f: {  	_ = 	snop  }
0x90: {  	s2 =	sld [smem:$0x3FD0];
	(tm) =	ssettm $0x1  }
0x91: {  	s18 =	sld [smem:$0x3FFB];
	_ =	sdelay $0x3  }
0x92: {  	_ =	strace s18  }
0x93: {  	s3 =	sld [smem:$0x3FFC];
	_ =	sdelay $0x3  }
0x94: {  	_ =	strace s3  }
0x95: {  	s3 =	sld [smem:$0x3FFD];
	_ =	sdelay $0x3  }
0x96: {  	_ =	strace s3  }
0x97: {  	_ =	strace $0x8FFFFFFF  }
0x98: {  	s19 =	sld [smem:$0x3FDB];
	_ =	sdelay $0x1  }
0x99: {  	s4 =	simm.s32 $_scs_section_size  }
0x9a: {  	s5 =	simm.s32 $_size__tile_overlayer_lowered;
	s6 =	simm.s32 $_tile_overlayer_lowered  }
0x9b: {  	s22 =	simm.s32 $0x1BFF;
	s21 =	sshll.u32 s6, $0x1;
	s3 =	sadd.s32 s4, s19  }
0x9c: {  	s7 =	simm.s32 $0x0;
	s20 =	sshll.u32 s5, $0x1;
	s5 =	sadd.s32 s21, s3  }
0x9d: {  	[timem:s7], [sflag:s22] =	dma.local [hbm:s5], s20  }
0x9e: {  	_ =	swait.ge [sflag:s22], s20  }
0x9f: {  	s4 =	ssub.s32 $0x0, s20;
	[sflag:s22] =	ssyncset.done $0x0  }
0xa0: {  	[sflag:s22] =	ssyncadd.s32 s4;
	_ =	sdelay $0x1  }
0xa1: {  	s23 =	simm.s32 $0x1B8B  }
0xa2: {  	_ =	swait.ge [sflag:s23], $0x1  }
0xa3: {  	[sflag:s23] =	ssyncset.done $0x0  }
0xa4: {  	s25 =	simm.s32 $0x1B8E;
	s24 =	sld [smem:$0x3FFE];
	[sflag:s23] =	ssyncadd.s32 $0xFFFFFFFF  }
0xa5: {  	s26 =	simm.s32 $execute0_lowered;
	[smem:$0x3FD2] =	sst s25  }
0xa6: {  	s5 =	sshll.u32 s26, $0x1;
	_ =	strace $0x80000046;
	[dreg:$0x1] =	wrdreg $0xFFFFFFFF  }
0xa7: {  	s28 =	simm.s32 $_size_execute0_lowered;
	s3 =	sadd.s32 s3, s5;
	[dreg:$0x0] =	wrdreg $0x0  }
0xa8: {  	s5 =	sshll.u32 s28, $0x1;
	[dreg:$0x2] =	wrdreg s3  }
0xa9: {  	[dreg:$0x3] =	wrdreg s5  }
0xaa: {  	[dreg:$0x4] =	wrdreg $0xC0  }
0xab: {  	_ =	task [dreg:s7], $0x5FFFF  }
0xac: {  	[dreg:$0x1] =	wrdreg $0xFFFFFFFF  }
0xad: {  	[dreg:$0x0] =	wrdreg $0x60  }
0xae: {  	[dreg:$0x2] =	wrdreg s2  }
0xaf: {  	[dreg:$0x3] =	wrdreg s24  }
0xb0: {  	[dreg:$0x4] =	wrdreg $0x9  }
0xb1: {  	_ =	task.clear_ibuf [dreg:s7], $0x5FFFF;
	_ =	strace $0x90000046  }
0xb2: {  	s29 =	simm.s32 $0x9;
	_ =	strace $0x80000048  }
0xb3: {  	_ =	swait.ge [sflag:s29], $0x1  }
0xb4: {  	[sflag:s29] =	ssyncadd.s32 $0xFFFFFFFF  }
0xb5: {  	_ =	strace $0x90000048  }
0xb6: {  	_ =	sfence  }
0xb7: {  	s30 =	sld [smem:$0x0];
	_ =	sdelay $0x2  }
0xb8: {  	s31 =	sshll.u32 s1, $0xD;
	s1 =	sshrl.u32 s1, $0x2  }
0xb9: {  	s3 =	sand.u32 $0x4000, s31;
	s1 =	sadd.s32 s1, s30  }
0xba: {  	s0 =	sor.u32 s3, s0;
	s1 =	sshll.u32 s1, $0x11  }
0xbb: {  	s0 =	sor.u32 s1, s0  }
0xbc: {  	s0 =	sadd.s32 $0x8F2B, s0  }
0xbd: {  	[sflag:s0] =	ssyncadd.remote.s32 $0x1  }
0xbe: {  	_ =	sfence.sel $0xFFFF  }
0xbf: {  	[dreg:$0x0] =	wrdreg $0xFFFFFFFF;
	(pc) =	sbr.abs _section_cstart, $3  }
0xc0: {  	[dreg:$0x1] =	wrdreg $0xFFFFFFFF  }
0xc1: {  	_ =	task.clear_ibuf [dreg:s7], $0x2FFFF;
	_ =	strace $0x9FFFFFFF  }
0xc2: {  	(tm) =	ssettm $0x7FFFFFFF  }
0xc3: {  	_ =	shalt  }
tec
execute0_lowered:
.L_overlay_start_1:
0x0: {  	(tag) =	ssettag $0x1  }
0x1: {  	v0 =	vimm.s32 $0xEFCDAB89;
	v1 =	vimm.s32 $0x67452301;
	v2 =	vimm.s32 $0xDCFE98BA  }
0x2: {  	v3 =	vimm.s32 $0x54761032;
	v4 =	vimm.s32 $0xBA98FEDC;
	v5 =	vimm.s32 $0xFEDCBA98  }
0x3: {  	s0 =	rddreg [dreg:$0x0];
	v6 =	vimm.s32 $0x32107654;
	v7 =	vimm.s32 $0x76543210;
	v0 =	vunpack.c.l.s4.s8 v0  }
0x4: {  	s4 =	rddreg [dreg:$0x1];
	s3 =	srdreg.scid;
	v1 =	vunpack.c.l.s4.s8 v1;
	v2 =	vunpack.c.l.s4.s8 v2;
	v3 =	vunpack.c.l.s4.s8 v3  }
0x5: {  	s1 =	rddreg [dreg:$0x2];
	s2 =	simm.s32 $0x0;
	s9 =	simm.s32 $0x1;
	v5 =	vunpack.c.l.s4.s8 v5;
	v4 =	vunpack.c.l.s4.s8 v4;
	v6 =	vunpack.c.l.s4.s8 v6  }
0x6: {  	s10 =	simm.s32 $0x0;
	s5 =	sand.u32 $0x1, s3;
	[smem:$0x7FF] =	sst s2;
	v7 =	vunpack.c.l.s4.s8 v7;
	v0 =	vunpack.c.0.s8.s32 v0;
	v1 =	vunpack.c.0.s8.s32 v1  }
0x7: {  	s3 =	stileid.u32;
	s4 =	sadd.s32 $0x400, s4;
	s6 =	ssub.s32 $0x2, s5;
	v2 =	vunpack.c.0.s8.s32 v2;
	v3 =	vunpack.c.0.s8.s32 v3;
	v5 =	vunpack.c.0.s8.s32 v5  }
0x8: {  	_ =	strace $0x80000047;
	s8 =	sshll.u32 s3, $0x1;
	s7 =	sshrl.u32 s6, $0x1;
	v4 =	vunpack.c.0.s8.s32 v4;
	v6 =	vunpack.c.0.s8.s32 v6;
	v7 =	vunpack.c.0.s8.s32 v7  }
0x9: {  	s5 =	sor.u32 s5, s8;
	s8 =	simm.s32 $0x400;
	s6 =	ssub.s32 s6, s7;
	v0 =	vcombine.low v1, v0;
	v1 =	vcombine.low v3, v2;
	v3 =	vand.u32 $0xF, v5  }
0xa: {  	s5 =	smul.u32 $0x18, s5;
	s7 =	simm.s32 $0x80;
	s6 =	smax.u32 s6, $0x1;
	v2 =	vcombine.low v6, v4;
	v3 =	vcombine.low v3, v7  }
.LBB2_1:
0xb: {  	s11 =	simm.s32 $0x0  }
.LBB2_2:
0xc: {  	s12 =	sadd.s32 s5, s11  }
0xd: {  	s12 =	sshrl.u32 s12, $0x3  }
0xe: {  	s13 =	sshll.u32 s11, $0x7;
	s12 =	smul.u32 $0x62000, s12  }
0xf: {  	s13 =	sand.u32 $0x380, s13  }
0x10: {  	s12 =	sor.u32 s13, s12  }
0x11: {  	s12 =	sshrl.u32 s12, $0x3  }
0x12: {  	s14 =	simm.s32 $0x0;
	s30 =	sadd.s32 s0, s12  }
0x13: {  	[tilespmem:s14], [sflag:$0x1] =	stream.strided.gather [hbm4b:s30+s7], $0xC400, s8, s7, $0x38;
	[tilespmem:$0xC400] =	vst v63  }
0x14: {  	_ =	swait.ge [sflag:s9], $0xC400  }
0x15: {  	[sflag:s9] =	ssyncset.done $0x0  }
0x16: {  	s31 =	simm.s32 $0x0;
	[sflag:s9] =	ssyncadd.s32 $0xFFFF3C00  }
0x17: {  	v4 =	vimm.f32 $-Inf;
	s13 =	simm.s32 $0x40;
	v5 =	vld [tilespmem:s31+$0x0]  }
.LBB2_3:
0x18: {  	p0 =	sne.s32 s13, $0x30FC0  }
.Ltmp0:
0x19: {  	_ = 	snop;
	(pc) =	sbr.rel @p0 .LBB2_3-.Ltmp0, $3  }
0x1a: {  	_ =	sdelay $0x1  }
0x1b: {  	s14 =	sshra.s32 s13, $0x2;
	s13 =	sadd.s32 $0x40, s13;
	v4 =	vmax.f32 v4, v5  }
0x1c: {  	v5 =	vld [tilespmem:s14+$0x0]  }
0x1d: {  	_ =	sdelay $0x3  }
0x1e: {  	v4 =	vmax.f32 v4, v5  }
0x1f: {  	v5 =	vperm.xlane v4, v0;
	_ =	sdelay $0x1  }
0x20: {  	v4 =	vmax.f32 v4, v5  }
0x21: {  	v5 =	vperm.xlane v4, v1;
	_ =	sdelay $0x1  }
0x22: {  	v4 =	vmax.f32 v4, v5  }
0x23: {  	v5 =	vperm.xlane v4, v2;
	_ =	sdelay $0x1  }
0x24: {  	v4 =	vmax.f32 v4, v5  }
0x25: {  	v5 =	vperm.xlane v4, v3;
	_ =	sdelay $0x1  }
0x26: {  	s13 =	simm.s32 $0x0;
	s14 =	simm.s32 $0x40;
	v4 =	vmax.f32 v4, v5  }
.LBB2_5:
0x27: {  	p0 =	sne.s32 s14, $0x30FC0;
	v5 =	vld [tilespmem:s13+$0x0];
	_ =	sdelay $0x2  }
.Ltmp1:
0x28: {  	(pc) =	sbr.rel @p0 .LBB2_5-.Ltmp1, $4  }
0x29: {  	_ = 	snop  }
0x2a: {  	vm0 =	veq.f32 v5, v4  }
0x2b: {  	v5 =	vnsel vm0, $0x0, v5  }
0x2c: {  	[tilespmem:s13+$0x0] =	vst v5;
	s13 =	sshra.s32 s14, $0x2;
	s14 =	sadd.s32 $0x40, s14  }
0x2d: {  	v5 =	vld [tilespmem:s13+$0x0];
	_ =	sdelay $0x4  }
0x2e: {  	s11 =	sadd.s32 $0x1, s11;
	vm0 =	veq.f32 v5, v4  }
0x2f: {  	p0 =	sne.s32 s11, $0x18;
	v4 =	vnsel vm0, $0x0, v5  }
.Ltmp2:
0x30: {  	s12 =	sadd.s32 s4, s12;
	[tilespmem:s13+$0x0] =	vst v4;
	(pc) =	sbr.rel @p0 .LBB2_2-.Ltmp2, $4  }
0x31: {  	[hbm4b:s12+s7] =	stream.strided.scatter [tilespmem:s2], [sflag:$0x1], $0xC400, s8, s7, $0x38;
	[tilespmem:$0xC400] =	vst v63  }
0x32: {  	_ =	swait.ge [sflag:s9], $0xC400  }
0x33: {  	[sflag:s9] =	ssyncset.done $0x0  }
0x34: {  	[sflag:s9] =	ssyncadd.s32 $0xFFFF3C00  }
0x35: {  	s10 =	sadd.s32 $0x1, s10  }
0x36: {  	p0 =	sne.s32 s10, s6  }
.Ltmp3:
0x37: {  	_ = 	snop;
	(pc) =	sbr.rel @p0 .LBB2_1-.Ltmp3, $1  }
0x38: {  	_ =	sdelay $0x3  }
0x39: {  	_ =	sfence.sel $0x180000  }
0x3a: {  	[bflag:$0x0] =	sbarrier.arrive $0xFFFF  }
0x3b: {  	p0 =	sne.s32 s3, $0x0;
	_ =	strace $0x90000047  }
0x3c: {  	s0 =	sadd.s32 @!p0 $0x100000, s1;
	[bflag:$0x2] =	sbarrier.arrive $0xFFFF  }
0x3d: {  	[sflag:s0] =	ssyncadd.tile.s32 @!p0 $0x1;
	_ =	shalt  }
.Lfunc_end2:
_tile_overlayer_lowered:
.L_overlay_start_2:
0x3e: {  	(tag) =	ssettag $0x2  }
0x3f: {  	s0 =	rddreg [dreg:$0x0];
	s2 =	stileid.u32  }
0x40: {  	s1 =	rddreg [dreg:$0x1];
	p0 =	sne.s32 s2, $0x0  }
0x41: {  	s3 =	rddreg [dreg:$0x2];
	[bflag:$0x3] =	sbarrier.arrive $0xFFFF;
	s2 =	simm.s32 @!p0 $0x1C01  }
0x42: {  	[timem:s3], [sflag:s2] =	dma.local @!p0 [hbm:s0], s1  }
0x43: {  	s0 =	simm.s32 @!p0 $0x1  }
0x44: {  	_ =	swait.ge @!p0 [sflag:s0], s1  }
0x45: {  	s1 =	ssub.s32 @!p0 $0x0, s1;
	[sflag:s0] =	ssyncset.done @!p0 $0x0  }
0x46: {  	[sflag:s0] =	ssyncadd.s32 @!p0 s1  }
0x47: {  	[bflag:$0x3] =	sbarrier.arrive $0xFFFF  }
0x48: {  	_ =	shalt  }

</sc_bundles>
